<compile_context>
chip_gen: v7x
topology: tpu7x:2x2x1
jax: 0.10.2.dev20260603
libtpu: 0.0.44.dev20260713+nightly
codegen_flags: <defaults>
</compile_context>

<pallas_src>
import jax
import jax.numpy as jnp
from jax.experimental import pallas as pl
from jax.experimental.pallas import tpu as pltpu

L, R, T, H, D = 4, 16, 2048, 8, 64
A = 4
HD = H * D
LR = L * R


def _patched_window(src_hbm, li, base, r, accept_ref, win_in, wsem):
    aligned = pl.multiple_of((base // 8) * 8, 8)
    off = base - aligned
    ld = pltpu.make_async_copy(
        src_hbm.at[pl.ds(li, 1), pl.ds(aligned, 16), :], win_in, wsem)
    ld.start()
    ld.wait()
    win = win_in[0, :, :]
    rows = jax.lax.broadcasted_iota(jnp.int32, (16, 1), 0)
    new = win
    for a in range(A):
        src = off + accept_ref[r, a]
        tgt = off + a
        shift = jax.lax.rem(tgt - src + 16, 16)
        rolled = pltpu.roll(win, shift, 0)
        new = jnp.where(rows == tgt, rolled, new)
    return aligned, new


def _copy_fix_kernel(cachelen_ref, accept_ref, k_hbm, v_hbm, out_ref,
                     win_in, win_out, sem, wsem):
    c = pl.program_id(0)
    i = pl.program_id(1)
    r = jax.lax.rem(i, R)
    base = cachelen_ref[r]

    def do(src_hbm):
        cp = pltpu.make_async_copy(
            src_hbm.at[pl.ds(i, 1), :, :], out_ref, sem)
        cp.start()
        aligned, new = _patched_window(
            src_hbm, i, base, r, accept_ref, win_in, wsem)
        win_out[0, :, :] = new
        cp.wait()
        st = pltpu.make_async_copy(
            win_out, out_ref.at[:, pl.ds(aligned, 16), :], wsem)
        st.start()
        st.wait()

    @pl.when(c == 0)
    def _():
        do(k_hbm)

    @pl.when(c == 1)
    def _():
        do(v_hbm)


def kernel(K_cache, V_cache, cachelen, accept_indices):
    Kr = jax.lax.bitcast_convert_type(K_cache, jnp.bfloat16).reshape(LR, T, HD)
    Vr = jax.lax.bitcast_convert_type(V_cache, jnp.bfloat16).reshape(LR, T, HD)
    grid_spec = pltpu.PrefetchScalarGridSpec(
        num_scalar_prefetch=2,
        grid=(2, LR),
        in_specs=[
            pl.BlockSpec(memory_space=pl.ANY),
            pl.BlockSpec(memory_space=pl.ANY),
        ],
        out_specs=pl.BlockSpec((1, T, HD), lambda c, i, cl, ai: (c * LR + i, 0, 0)),
        scratch_shapes=[
            pltpu.VMEM((1, 16, HD), jnp.bfloat16),
            pltpu.VMEM((1, 16, HD), jnp.bfloat16),
            pltpu.SemaphoreType.DMA,
            pltpu.SemaphoreType.DMA,
        ],
    )
    out = pl.pallas_call(
        _copy_fix_kernel,
        grid_spec=grid_spec,
        out_shape=jax.ShapeDtypeStruct((2 * LR, T, HD), jnp.bfloat16),
    )(cachelen, accept_indices, Kr, Vr)
    out = jax.lax.bitcast_convert_type(out, K_cache.dtype)
    return out.reshape(2, L, R, T, H, D)

# --- scband reference (transcript-rebuilt; emitter-appended) ---
"""Pipeline reference for scband-kvcache-manager-29025388986999 (READ-ONLY COPY).

The authoritative reference and input builder live on the scoring server;
editing this copy changes nothing except your own understanding.
"""

import jax, jax.numpy as jnp
import numpy as np

L, R, T, H, D = 4, 16, 2048, 8, 64
NUM_ACCEPT = 4

def setup_inputs(seed: int = 0) -> dict:
    key = jax.random.key(seed)
    k1, k2, k3, k4 = jax.random.split(key, 4)
    K_cache = jax.random.normal(k1, (L, R, T, H, D), dtype=jnp.float16)
    V_cache = jax.random.normal(k2, (L, R, T, H, D), dtype=jnp.float16)
    cachelen = jax.random.randint(k3, (R,), 0, 2040, dtype=jnp.int32)
    accept_indices = jnp.sort(jax.random.randint(k4, (R, NUM_ACCEPT), 0, 8, dtype=jnp.int32), axis=-1)
    return {"K_cache": K_cache, "V_cache": V_cache, "cachelen": cachelen, "accept_indices": accept_indices}

def reference(K_cache, V_cache, cachelen, accept_indices):
    # Faithful translation of KVCacheManager.tokencache_move (batched, fixed num_accept):
    # gather accepted tokens from src positions and scatter-overwrite them to contiguous tgt positions.
    Rr, A = accept_indices.shape
    src_pos = (cachelen[:, None] + accept_indices).reshape(-1)                                   # [R*A]
    tgt_pos = (cachelen[:, None] + jnp.arange(A, dtype=cachelen.dtype)[None, :]).reshape(-1)     # [R*A]
    req_idx = jnp.repeat(jnp.arange(Rr, dtype=cachelen.dtype), A)                                # [R*A]
    src_k = K_cache[:, req_idx, src_pos, :, :]   # gather -> [L, R*A, H, D]
    src_v = V_cache[:, req_idx, src_pos, :, :]
    new_K = K_cache.at[:, req_idx, tgt_pos, :, :].set(src_k)   # scatter-overwrite
    new_V = V_cache.at[:, req_idx, tgt_pos, :, :].set(src_v)
    return jnp.stack([new_K, new_V], axis=0)

if __name__ == "__main__":
    import jax
    _d = setup_inputs()
    print(jax.jit(kernel)(*tuple(_d.values())))

</pallas_src>

<mosaic_0001>
module attributes {stable_mosaic.version = 14 : i64} {
  func.func @_copy_fix_kernel(%arg0: i32, %arg1: i32, %arg2: memref<16xi32, #tpu.memory_space<smem>>, %arg3: memref<16x4xi32, #tpu.memory_space<smem>>, %arg4: memref<64x2048x512xbf16, #tpu.memory_space<any>>, %arg5: memref<64x2048x512xbf16, #tpu.memory_space<any>>, %arg6: memref<1x2048x512xbf16, #tpu.memory_space<vmem>>, %arg7: memref<1x16x512xbf16, #tpu.memory_space<vmem>>, %arg8: memref<1x16x512xbf16, #tpu.memory_space<vmem>>, %arg9: memref<!tpu.dma_semaphore, #tpu.memory_space<semaphore_mem>>, %arg10: memref<!tpu.dma_semaphore, #tpu.memory_space<semaphore_mem>>) attributes {dimension_semantics = [#tpu.dimension_semantics<arbitrary>, #tpu.dimension_semantics<arbitrary>], iteration_bounds = array<i64: 2, 64>, scalar_prefetch = 2 : i64, scratch_operands = 4 : i64, tpu.core_type = #tpu.core_type<tc>, window_params = [{}, {}, {transform_indices = @transform_2, window_bounds = array<i64: 1, 2048, 512>}]} {
    %rem3A = arith.constant 16 : i32
    %rem3A_0 = arith.remsi %arg1, %rem3A : i32
    %get3A = arith.index_cast %rem3A_0 : i32 to index
    %get3A_1 = memref.load %arg2[%get3A] : memref<16xi32, #tpu.memory_space<smem>>
    %eq3A = arith.constant 0 : i32
    %eq3A_2 = arith.cmpi eq, %arg0, %eq3A : i32
    %convert_element_type3A = arith.extui %eq3A_2 : i1 to i32
    %cond3A = arith.constant 0 : i32
    %cond3A_3 = arith.cmpi ne, %convert_element_type3A, %cond3A : i32
    scf.if %cond3A_3 {
      %dma_start3A = arith.constant 0 : i32
      %dma_start3A_9 = arith.constant 0 : i32
      %dma_start3A_10 = tpu.memref_slice %arg4[%arg1, %dma_start3A, %dma_start3A_9] : memref<64x2048x512xbf16, #tpu.memory_space<any>> -> memref<1x2048x512xbf16, #tpu.memory_space<any>>
      tpu.enqueue_dma source(%dma_start3A_10 : memref<1x2048x512xbf16, #tpu.memory_space<any>>) target(%arg6 : memref<1x2048x512xbf16, #tpu.memory_space<vmem>>) target_semaphore(%arg9 : memref<!tpu.dma_semaphore, #tpu.memory_space<semaphore_mem>>)
      %jit3A = arith.constant 8 : i32
      %div3A = arith.divsi %get3A_1, %jit3A : i32
      %sign3A = arith.constant 0 : i32
      %sign3A_11 = arith.cmpi sgt, %get3A_1, %sign3A : i32
      %sign3A_12 = arith.extui %sign3A_11 : i1 to i32
      %sign3A_13 = arith.constant 0 : i32
      %sign3A_14 = arith.cmpi slt, %get3A_1, %sign3A_13 : i32
      %sign3A_15 = arith.extui %sign3A_14 : i1 to i32
      %sign3A_16 = arith.subi %sign3A_12, %sign3A_15 : i32
      %sign3A_17 = arith.constant 0 : i32
      %sign3A_18 = arith.cmpi sgt, %jit3A, %sign3A_17 : i32
      %sign3A_19 = arith.extui %sign3A_18 : i1 to i32
      %sign3A_20 = arith.constant 0 : i32
      %sign3A_21 = arith.cmpi slt, %jit3A, %sign3A_20 : i32
      %sign3A_22 = arith.extui %sign3A_21 : i1 to i32
      %sign3A_23 = arith.subi %sign3A_19, %sign3A_22 : i32
      %ne3A = arith.cmpi ne, %sign3A_16, %sign3A_23 : i32
      %rem3A_24 = arith.remsi %get3A_1, %jit3A : i32
      %ne3A_25 = arith.constant 0 : i32
      %ne3A_26 = arith.cmpi ne, %rem3A_24, %ne3A_25 : i32
      %and3A = arith.andi %ne3A, %ne3A_26 : i1
      %sub3A = arith.constant 1 : i32
      %sub3A_27 = arith.subi %div3A, %sub3A : i32
      %select_n3A = arith.select %and3A, %sub3A_27, %div3A : i32
      %mul3A = arith.constant 8 : i32
      %mul3A_28 = arith.muli %select_n3A, %mul3A : i32
      %multiple_of3A = tpu.assume_multiple %mul3A_28, 8 : i32
      %sub3A_29 = arith.subi %get3A_1, %multiple_of3A : i32
      %dma_start3A_30 = arith.constant 0 : i32
      %dma_start3A_31 = tpu.memref_slice %arg4[%arg1, %multiple_of3A, %dma_start3A_30] : memref<64x2048x512xbf16, #tpu.memory_space<any>> -> memref<1x16x512xbf16, #tpu.memory_space<any>>
      tpu.enqueue_dma source(%dma_start3A_31 : memref<1x16x512xbf16, #tpu.memory_space<any>>) target(%arg7 : memref<1x16x512xbf16, #tpu.memory_space<vmem>>) target_semaphore(%arg10 : memref<!tpu.dma_semaphore, #tpu.memory_space<semaphore_mem>>)
      %dma_wait3A = arith.constant 0 : i32
      %dma_wait3A_32 = tpu.memref_slice %arg4[%arg1, %multiple_of3A, %dma_wait3A] : memref<64x2048x512xbf16, #tpu.memory_space<any>> -> memref<1x16x512xbf16, #tpu.memory_space<any>>
      tpu.wait_dma2 semaphore(%arg10 : memref<!tpu.dma_semaphore, #tpu.memory_space<semaphore_mem>>) src(%dma_wait3A_32 : memref<1x16x512xbf16, #tpu.memory_space<any>>) dst(%arg7 : memref<1x16x512xbf16, #tpu.memory_space<vmem>>)
      %get3A_33 = arith.constant 0 : index
      %get3A_34 = arith.constant 0 : index
      %get3A_35 = arith.constant 0 : index
      %get3A_36 = vector.load %arg7[%get3A_33, %get3A_34, %get3A_35] : memref<1x16x512xbf16, #tpu.memory_space<vmem>>, vector<1x16x512xbf16>
      %get3A_37 = vector.shape_cast %get3A_36 : vector<1x16x512xbf16> to vector<16x512xbf16>
      %iota3A = tpu.iota {dimensions = array<i32: 0>} : vector<16x1xi32>
      %get3A_38 = arith.index_cast %rem3A_0 : i32 to index
      %get3A_39 = arith.constant 0 : index
      %get3A_40 = memref.load %arg3[%get3A_38, %get3A_39] : memref<16x4xi32, #tpu.memory_space<smem>>
      %add3A = arith.addi %sub3A_29, %get3A_40 : i32
      %add3A_41 = arith.constant 0 : i32
      %add3A_42 = arith.addi %sub3A_29, %add3A_41 : i32
      %sub3A_43 = arith.subi %add3A_42, %add3A : i32
      %add3A_44 = arith.constant 16 : i32
      %add3A_45 = arith.addi %sub3A_43, %add3A_44 : i32
      %rem3A_46 = arith.constant 16 : i32
      %rem3A_47 = arith.remsi %add3A_45, %rem3A_46 : i32
      %roll3A = tpu.dynamic_rotate %get3A_37 by %rem3A_47 dim 0 : vector<16x512xbf16>, i32 -> vector<16x512xbf16>
      %eq3A_48 = vector.broadcast %add3A_42 : i32 to vector<16x1xi32>
      %eq3A_49 = arith.cmpi eq, %iota3A, %eq3A_48 : vector<16x1xi32>
      %broadcast_in_dim3A = vector.shape_cast %eq3A_49 : vector<16x1xi1> to vector<16x1xi1>
      %broadcast_in_dim3A_50 = vector.broadcast %broadcast_in_dim3A : vector<16x1xi1> to vector<16x512xi1>
      %select_n3A_51 = arith.select %broadcast_in_dim3A_50, %roll3A, %get3A_37 : vector<16x512xi1>, vector<16x512xbf16>
      %get3A_52 = arith.index_cast %rem3A_0 : i32 to index
      %get3A_53 = arith.constant 1 : index
      %get3A_54 = memref.load %arg3[%get3A_52, %get3A_53] : memref<16x4xi32, #tpu.memory_space<smem>>
      %add3A_55 = arith.addi %sub3A_29, %get3A_54 : i32
      %add3A_56 = arith.constant 1 : i32
      %add3A_57 = arith.addi %sub3A_29, %add3A_56 : i32
      %sub3A_58 = arith.subi %add3A_57, %add3A_55 : i32
      %add3A_59 = arith.constant 16 : i32
      %add3A_60 = arith.addi %sub3A_58, %add3A_59 : i32
      %rem3A_61 = arith.constant 16 : i32
      %rem3A_62 = arith.remsi %add3A_60, %rem3A_61 : i32
      %roll3A_63 = tpu.dynamic_rotate %get3A_37 by %rem3A_62 dim 0 : vector<16x512xbf16>, i32 -> vector<16x512xbf16>
      %eq3A_64 = vector.broadcast %add3A_57 : i32 to vector<16x1xi32>
      %eq3A_65 = arith.cmpi eq, %iota3A, %eq3A_64 : vector<16x1xi32>
      %broadcast_in_dim3A_66 = vector.shape_cast %eq3A_65 : vector<16x1xi1> to vector<16x1xi1>
      %broadcast_in_dim3A_67 = vector.broadcast %broadcast_in_dim3A_66 : vector<16x1xi1> to vector<16x512xi1>
      %select_n3A_68 = arith.select %broadcast_in_dim3A_67, %roll3A_63, %select_n3A_51 : vector<16x512xi1>, vector<16x512xbf16>
      %get3A_69 = arith.index_cast %rem3A_0 : i32 to index
      %get3A_70 = arith.constant 2 : index
      %get3A_71 = memref.load %arg3[%get3A_69, %get3A_70] : memref<16x4xi32, #tpu.memory_space<smem>>
      %add3A_72 = arith.addi %sub3A_29, %get3A_71 : i32
      %add3A_73 = arith.constant 2 : i32
      %add3A_74 = arith.addi %sub3A_29, %add3A_73 : i32
      %sub3A_75 = arith.subi %add3A_74, %add3A_72 : i32
      %add3A_76 = arith.constant 16 : i32
      %add3A_77 = arith.addi %sub3A_75, %add3A_76 : i32
      %rem3A_78 = arith.constant 16 : i32
      %rem3A_79 = arith.remsi %add3A_77, %rem3A_78 : i32
      %roll3A_80 = tpu.dynamic_rotate %get3A_37 by %rem3A_79 dim 0 : vector<16x512xbf16>, i32 -> vector<16x512xbf16>
      %eq3A_81 = vector.broadcast %add3A_74 : i32 to vector<16x1xi32>
      %eq3A_82 = arith.cmpi eq, %iota3A, %eq3A_81 : vector<16x1xi32>
      %broadcast_in_dim3A_83 = vector.shape_cast %eq3A_82 : vector<16x1xi1> to vector<16x1xi1>
      %broadcast_in_dim3A_84 = vector.broadcast %broadcast_in_dim3A_83 : vector<16x1xi1> to vector<16x512xi1>
      %select_n3A_85 = arith.select %broadcast_in_dim3A_84, %roll3A_80, %select_n3A_68 : vector<16x512xi1>, vector<16x512xbf16>
      %get3A_86 = arith.index_cast %rem3A_0 : i32 to index
      %get3A_87 = arith.constant 3 : index
      %get3A_88 = memref.load %arg3[%get3A_86, %get3A_87] : memref<16x4xi32, #tpu.memory_space<smem>>
      %add3A_89 = arith.addi %sub3A_29, %get3A_88 : i32
      %add3A_90 = arith.constant 3 : i32
      %add3A_91 = arith.addi %sub3A_29, %add3A_90 : i32
      %sub3A_92 = arith.subi %add3A_91, %add3A_89 : i32
      %add3A_93 = arith.constant 16 : i32
      %add3A_94 = arith.addi %sub3A_92, %add3A_93 : i32
      %rem3A_95 = arith.constant 16 : i32
      %rem3A_96 = arith.remsi %add3A_94, %rem3A_95 : i32
      %roll3A_97 = tpu.dynamic_rotate %get3A_37 by %rem3A_96 dim 0 : vector<16x512xbf16>, i32 -> vector<16x512xbf16>
      %eq3A_98 = vector.broadcast %add3A_91 : i32 to vector<16x1xi32>
      %eq3A_99 = arith.cmpi eq, %iota3A, %eq3A_98 : vector<16x1xi32>
      %broadcast_in_dim3A_100 = vector.shape_cast %eq3A_99 : vector<16x1xi1> to vector<16x1xi1>
      %broadcast_in_dim3A_101 = vector.broadcast %broadcast_in_dim3A_100 : vector<16x1xi1> to vector<16x512xi1>
      %select_n3A_102 = arith.select %broadcast_in_dim3A_101, %roll3A_97, %select_n3A_85 : vector<16x512xi1>, vector<16x512xbf16>
      %swap3A = arith.constant 0 : index
      %swap3A_103 = arith.constant 0 : index
      %swap3A_104 = arith.constant 0 : index
      %swap3A_105 = vector.load %arg8[%swap3A, %swap3A_103, %swap3A_104] : memref<1x16x512xbf16, #tpu.memory_space<vmem>>, vector<1x16x512xbf16>
      %swap3A_106 = vector.shape_cast %swap3A_105 : vector<1x16x512xbf16> to vector<16x512xbf16>
      %swap3A_107 = vector.shape_cast %select_n3A_102 : vector<16x512xbf16> to vector<1x16x512xbf16>
      tpu.vector_store %arg8[%swap3A, %swap3A_103, %swap3A_104], %swap3A_107 {strides = array<i32>} : memref<1x16x512xbf16, #tpu.memory_space<vmem>>, vector<1x16x512xbf16>,
      %dma_wait3A_108 = arith.constant 0 : i32
      %dma_wait3A_109 = arith.constant 0 : i32
      %dma_wait3A_110 = tpu.memref_slice %arg4[%arg1, %dma_wait3A_108, %dma_wait3A_109] : memref<64x2048x512xbf16, #tpu.memory_space<any>> -> memref<1x2048x512xbf16, #tpu.memory_space<any>>
      tpu.wait_dma2 semaphore(%arg9 : memref<!tpu.dma_semaphore, #tpu.memory_space<semaphore_mem>>) src(%dma_wait3A_110 : memref<1x2048x512xbf16, #tpu.memory_space<any>>) dst(%arg6 : memref<1x2048x512xbf16, #tpu.memory_space<vmem>>)
      %dma_start3A_111 = arith.constant 0 : i32
      %dma_start3A_112 = arith.constant 0 : i32
      %dma_start3A_113 = tpu.memref_slice %arg6[%dma_start3A_111, %multiple_of3A, %dma_start3A_112] : memref<1x2048x512xbf16, #tpu.memory_space<vmem>> -> memref<1x16x512xbf16, #tpu.memory_space<vmem>>
      tpu.enqueue_dma source(%arg8 : memref<1x16x512xbf16, #tpu.memory_space<vmem>>) target(%dma_start3A_113 : memref<1x16x512xbf16, #tpu.memory_space<vmem>>) target_semaphore(%arg10 : memref<!tpu.dma_semaphore, #tpu.memory_space<semaphore_mem>>)
      %dma_wait3A_114 = arith.constant 0 : i32
      %dma_wait3A_115 = arith.constant 0 : i32
      %dma_wait3A_116 = tpu.memref_slice %arg6[%dma_wait3A_114, %multiple_of3A, %dma_wait3A_115] : memref<1x2048x512xbf16, #tpu.memory_space<vmem>> -> memref<1x16x512xbf16, #tpu.memory_space<vmem>>
      tpu.wait_dma2 semaphore(%arg10 : memref<!tpu.dma_semaphore, #tpu.memory_space<semaphore_mem>>) src(%arg8 : memref<1x16x512xbf16, #tpu.memory_space<vmem>>) dst(%dma_wait3A_116 : memref<1x16x512xbf16, #tpu.memory_space<vmem>>)
    } else {
    }
    %eq3A_4 = arith.constant 1 : i32
    %eq3A_5 = arith.cmpi eq, %arg0, %eq3A_4 : i32
    %convert_element_type3A_6 = arith.extui %eq3A_5 : i1 to i32
    %cond3A_7 = arith.constant 0 : i32
    %cond3A_8 = arith.cmpi ne, %convert_element_type3A_6, %cond3A_7 : i32
    scf.if %cond3A_8 {
      %dma_start3A = arith.constant 0 : i32
      %dma_start3A_9 = arith.constant 0 : i32
      %dma_start3A_10 = tpu.memref_slice %arg5[%arg1, %dma_start3A, %dma_start3A_9] : memref<64x2048x512xbf16, #tpu.memory_space<any>> -> memref<1x2048x512xbf16, #tpu.memory_space<any>>
      tpu.enqueue_dma source(%dma_start3A_10 : memref<1x2048x512xbf16, #tpu.memory_space<any>>) target(%arg6 : memref<1x2048x512xbf16, #tpu.memory_space<vmem>>) target_semaphore(%arg9 : memref<!tpu.dma_semaphore, #tpu.memory_space<semaphore_mem>>)
      %jit3A = arith.constant 8 : i32
      %div3A = arith.divsi %get3A_1, %jit3A : i32
      %sign3A = arith.constant 0 : i32
      %sign3A_11 = arith.cmpi sgt, %get3A_1, %sign3A : i32
      %sign3A_12 = arith.extui %sign3A_11 : i1 to i32
      %sign3A_13 = arith.constant 0 : i32
      %sign3A_14 = arith.cmpi slt, %get3A_1, %sign3A_13 : i32
      %sign3A_15 = arith.extui %sign3A_14 : i1 to i32
      %sign3A_16 = arith.subi %sign3A_12, %sign3A_15 : i32
      %sign3A_17 = arith.constant 0 : i32
      %sign3A_18 = arith.cmpi sgt, %jit3A, %sign3A_17 : i32
      %sign3A_19 = arith.extui %sign3A_18 : i1 to i32
      %sign3A_20 = arith.constant 0 : i32
      %sign3A_21 = arith.cmpi slt, %jit3A, %sign3A_20 : i32
      %sign3A_22 = arith.extui %sign3A_21 : i1 to i32
      %sign3A_23 = arith.subi %sign3A_19, %sign3A_22 : i32
      %ne3A = arith.cmpi ne, %sign3A_16, %sign3A_23 : i32
      %rem3A_24 = arith.remsi %get3A_1, %jit3A : i32
      %ne3A_25 = arith.constant 0 : i32
      %ne3A_26 = arith.cmpi ne, %rem3A_24, %ne3A_25 : i32
      %and3A = arith.andi %ne3A, %ne3A_26 : i1
      %sub3A = arith.constant 1 : i32
      %sub3A_27 = arith.subi %div3A, %sub3A : i32
      %select_n3A = arith.select %and3A, %sub3A_27, %div3A : i32
      %mul3A = arith.constant 8 : i32
      %mul3A_28 = arith.muli %select_n3A, %mul3A : i32
      %multiple_of3A = tpu.assume_multiple %mul3A_28, 8 : i32
      %sub3A_29 = arith.subi %get3A_1, %multiple_of3A : i32
      %dma_start3A_30 = arith.constant 0 : i32
      %dma_start3A_31 = tpu.memref_slice %arg5[%arg1, %multiple_of3A, %dma_start3A_30] : memref<64x2048x512xbf16, #tpu.memory_space<any>> -> memref<1x16x512xbf16, #tpu.memory_space<any>>
      tpu.enqueue_dma source(%dma_start3A_31 : memref<1x16x512xbf16, #tpu.memory_space<any>>) target(%arg7 : memref<1x16x512xbf16, #tpu.memory_space<vmem>>) target_semaphore(%arg10 : memref<!tpu.dma_semaphore, #tpu.memory_space<semaphore_mem>>)
      %dma_wait3A = arith.constant 0 : i32
      %dma_wait3A_32 = tpu.memref_slice %arg5[%arg1, %multiple_of3A, %dma_wait3A] : memref<64x2048x512xbf16, #tpu.memory_space<any>> -> memref<1x16x512xbf16, #tpu.memory_space<any>>
      tpu.wait_dma2 semaphore(%arg10 : memref<!tpu.dma_semaphore, #tpu.memory_space<semaphore_mem>>) src(%dma_wait3A_32 : memref<1x16x512xbf16, #tpu.memory_space<any>>) dst(%arg7 : memref<1x16x512xbf16, #tpu.memory_space<vmem>>)
      %get3A_33 = arith.constant 0 : index
      %get3A_34 = arith.constant 0 : index
      %get3A_35 = arith.constant 0 : index
      %get3A_36 = vector.load %arg7[%get3A_33, %get3A_34, %get3A_35] : memref<1x16x512xbf16, #tpu.memory_space<vmem>>, vector<1x16x512xbf16>
      %get3A_37 = vector.shape_cast %get3A_36 : vector<1x16x512xbf16> to vector<16x512xbf16>
      %iota3A = tpu.iota {dimensions = array<i32: 0>} : vector<16x1xi32>
      %get3A_38 = arith.index_cast %rem3A_0 : i32 to index
      %get3A_39 = arith.constant 0 : index
      %get3A_40 = memref.load %arg3[%get3A_38, %get3A_39] : memref<16x4xi32, #tpu.memory_space<smem>>
      %add3A = arith.addi %sub3A_29, %get3A_40 : i32
      %add3A_41 = arith.constant 0 : i32
      %add3A_42 = arith.addi %sub3A_29, %add3A_41 : i32
      %sub3A_43 = arith.subi %add3A_42, %add3A : i32
      %add3A_44 = arith.constant 16 : i32
      %add3A_45 = arith.addi %sub3A_43, %add3A_44 : i32
      %rem3A_46 = arith.constant 16 : i32
      %rem3A_47 = arith.remsi %add3A_45, %rem3A_46 : i32
      %roll3A = tpu.dynamic_rotate %get3A_37 by %rem3A_47 dim 0 : vector<16x512xbf16>, i32 -> vector<16x512xbf16>
      %eq3A_48 = vector.broadcast %add3A_42 : i32 to vector<16x1xi32>
      %eq3A_49 = arith.cmpi eq, %iota3A, %eq3A_48 : vector<16x1xi32>
      %broadcast_in_dim3A = vector.shape_cast %eq3A_49 : vector<16x1xi1> to vector<16x1xi1>
      %broadcast_in_dim3A_50 = vector.broadcast %broadcast_in_dim3A : vector<16x1xi1> to vector<16x512xi1>
      %select_n3A_51 = arith.select %broadcast_in_dim3A_50, %roll3A, %get3A_37 : vector<16x512xi1>, vector<16x512xbf16>
      %get3A_52 = arith.index_cast %rem3A_0 : i32 to index
      %get3A_53 = arith.constant 1 : index
      %get3A_54 = memref.load %arg3[%get3A_52, %get3A_53] : memref<16x4xi32, #tpu.memory_space<smem>>
      %add3A_55 = arith.addi %sub3A_29, %get3A_54 : i32
      %add3A_56 = arith.constant 1 : i32
      %add3A_57 = arith.addi %sub3A_29, %add3A_56 : i32
      %sub3A_58 = arith.subi %add3A_57, %add3A_55 : i32
      %add3A_59 = arith.constant 16 : i32
      %add3A_60 = arith.addi %sub3A_58, %add3A_59 : i32
      %rem3A_61 = arith.constant 16 : i32
      %rem3A_62 = arith.remsi %add3A_60, %rem3A_61 : i32
      %roll3A_63 = tpu.dynamic_rotate %get3A_37 by %rem3A_62 dim 0 : vector<16x512xbf16>, i32 -> vector<16x512xbf16>
      %eq3A_64 = vector.broadcast %add3A_57 : i32 to vector<16x1xi32>
      %eq3A_65 = arith.cmpi eq, %iota3A, %eq3A_64 : vector<16x1xi32>
      %broadcast_in_dim3A_66 = vector.shape_cast %eq3A_65 : vector<16x1xi1> to vector<16x1xi1>
      %broadcast_in_dim3A_67 = vector.broadcast %broadcast_in_dim3A_66 : vector<16x1xi1> to vector<16x512xi1>
      %select_n3A_68 = arith.select %broadcast_in_dim3A_67, %roll3A_63, %select_n3A_51 : vector<16x512xi1>, vector<16x512xbf16>
      %get3A_69 = arith.index_cast %rem3A_0 : i32 to index
      %get3A_70 = arith.constant 2 : index
      %get3A_71 = memref.load %arg3[%get3A_69, %get3A_70] : memref<16x4xi32, #tpu.memory_space<smem>>
      %add3A_72 = arith.addi %sub3A_29, %get3A_71 : i32
      %add3A_73 = arith.constant 2 : i32
      %add3A_74 = arith.addi %sub3A_29, %add3A_73 : i32
      %sub3A_75 = arith.subi %add3A_74, %add3A_72 : i32
      %add3A_76 = arith.constant 16 : i32
      %add3A_77 = arith.addi %sub3A_75, %add3A_76 : i32
      %rem3A_78 = arith.constant 16 : i32
      %rem3A_79 = arith.remsi %add3A_77, %rem3A_78 : i32
      %roll3A_80 = tpu.dynamic_rotate %get3A_37 by %rem3A_79 dim 0 : vector<16x512xbf16>, i32 -> vector<16x512xbf16>
      %eq3A_81 = vector.broadcast %add3A_74 : i32 to vector<16x1xi32>
      %eq3A_82 = arith.cmpi eq, %iota3A, %eq3A_81 : vector<16x1xi32>
      %broadcast_in_dim3A_83 = vector.shape_cast %eq3A_82 : vector<16x1xi1> to vector<16x1xi1>
      %broadcast_in_dim3A_84 = vector.broadcast %broadcast_in_dim3A_83 : vector<16x1xi1> to vector<16x512xi1>
      %select_n3A_85 = arith.select %broadcast_in_dim3A_84, %roll3A_80, %select_n3A_68 : vector<16x512xi1>, vector<16x512xbf16>
      %get3A_86 = arith.index_cast %rem3A_0 : i32 to index
      %get3A_87 = arith.constant 3 : index
      %get3A_88 = memref.load %arg3[%get3A_86, %get3A_87] : memref<16x4xi32, #tpu.memory_space<smem>>
      %add3A_89 = arith.addi %sub3A_29, %get3A_88 : i32
      %add3A_90 = arith.constant 3 : i32
      %add3A_91 = arith.addi %sub3A_29, %add3A_90 : i32
      %sub3A_92 = arith.subi %add3A_91, %add3A_89 : i32
      %add3A_93 = arith.constant 16 : i32
      %add3A_94 = arith.addi %sub3A_92, %add3A_93 : i32
      %rem3A_95 = arith.constant 16 : i32
      %rem3A_96 = arith.remsi %add3A_94, %rem3A_95 : i32
      %roll3A_97 = tpu.dynamic_rotate %get3A_37 by %rem3A_96 dim 0 : vector<16x512xbf16>, i32 -> vector<16x512xbf16>
      %eq3A_98 = vector.broadcast %add3A_91 : i32 to vector<16x1xi32>
      %eq3A_99 = arith.cmpi eq, %iota3A, %eq3A_98 : vector<16x1xi32>
      %broadcast_in_dim3A_100 = vector.shape_cast %eq3A_99 : vector<16x1xi1> to vector<16x1xi1>
      %broadcast_in_dim3A_101 = vector.broadcast %broadcast_in_dim3A_100 : vector<16x1xi1> to vector<16x512xi1>
      %select_n3A_102 = arith.select %broadcast_in_dim3A_101, %roll3A_97, %select_n3A_85 : vector<16x512xi1>, vector<16x512xbf16>
      %swap3A = arith.constant 0 : index
      %swap3A_103 = arith.constant 0 : index
      %swap3A_104 = arith.constant 0 : index
      %swap3A_105 = vector.load %arg8[%swap3A, %swap3A_103, %swap3A_104] : memref<1x16x512xbf16, #tpu.memory_space<vmem>>, vector<1x16x512xbf16>
      %swap3A_106 = vector.shape_cast %swap3A_105 : vector<1x16x512xbf16> to vector<16x512xbf16>
      %swap3A_107 = vector.shape_cast %select_n3A_102 : vector<16x512xbf16> to vector<1x16x512xbf16>
      tpu.vector_store %arg8[%swap3A, %swap3A_103, %swap3A_104], %swap3A_107 {strides = array<i32>} : memref<1x16x512xbf16, #tpu.memory_space<vmem>>, vector<1x16x512xbf16>,
      %dma_wait3A_108 = arith.constant 0 : i32
      %dma_wait3A_109 = arith.constant 0 : i32
      %dma_wait3A_110 = tpu.memref_slice %arg5[%arg1, %dma_wait3A_108, %dma_wait3A_109] : memref<64x2048x512xbf16, #tpu.memory_space<any>> -> memref<1x2048x512xbf16, #tpu.memory_space<any>>
      tpu.wait_dma2 semaphore(%arg9 : memref<!tpu.dma_semaphore, #tpu.memory_space<semaphore_mem>>) src(%dma_wait3A_110 : memref<1x2048x512xbf16, #tpu.memory_space<any>>) dst(%arg6 : memref<1x2048x512xbf16, #tpu.memory_space<vmem>>)
      %dma_start3A_111 = arith.constant 0 : i32
      %dma_start3A_112 = arith.constant 0 : i32
      %dma_start3A_113 = tpu.memref_slice %arg6[%dma_start3A_111, %multiple_of3A, %dma_start3A_112] : memref<1x2048x512xbf16, #tpu.memory_space<vmem>> -> memref<1x16x512xbf16, #tpu.memory_space<vmem>>
      tpu.enqueue_dma source(%arg8 : memref<1x16x512xbf16, #tpu.memory_space<vmem>>) target(%dma_start3A_113 : memref<1x16x512xbf16, #tpu.memory_space<vmem>>) target_semaphore(%arg10 : memref<!tpu.dma_semaphore, #tpu.memory_space<semaphore_mem>>)
      %dma_wait3A_114 = arith.constant 0 : i32
      %dma_wait3A_115 = arith.constant 0 : i32
      %dma_wait3A_116 = tpu.memref_slice %arg6[%dma_wait3A_114, %multiple_of3A, %dma_wait3A_115] : memref<1x2048x512xbf16, #tpu.memory_space<vmem>> -> memref<1x16x512xbf16, #tpu.memory_space<vmem>>
      tpu.wait_dma2 semaphore(%arg10 : memref<!tpu.dma_semaphore, #tpu.memory_space<semaphore_mem>>) src(%arg8 : memref<1x16x512xbf16, #tpu.memory_space<vmem>>) dst(%dma_wait3A_116 : memref<1x16x512xbf16, #tpu.memory_space<vmem>>)
    } else {
    }
    return
  }
  func.func @transform_2(%arg0: i32, %arg1: i32, %arg2: memref<16xi32, #tpu.memory_space<smem>>, %arg3: memref<16x4xi32, #tpu.memory_space<smem>>) -> (i32, i32, i32) {
    %mul3A = arith.constant 64 : i32
    %mul3A_0 = arith.muli %arg0, %mul3A : i32
    %add3A = arith.addi %mul3A_0, %arg1 : i32
    %c0_i32 = arith.constant 0 : i32
    %c0_i32_1 = arith.constant 0 : i32
    %c0_i32_2 = arith.constant 0 : i32
    return %add3A, %c0_i32, %c0_i32_1 : i32, i32, i32
  }
}

</mosaic_0001>

<sc_bundles>
// kernel: sparse-core-data-format-call.cloned.1.call-start
scs
called_computation_lowered:
.L_overlay_start_0:
0x0: {  	s2 =	sld [smem:$0x3FD9]  }
0x1: {  	s3 =	sld [smem:$0x3FFE];
	_ =	sdelay $0x1  }
0x2: {  	s1 =	srdreg.scid  }
0x3: {  	s0 =	sand.u32 $0x1, s1  }
0x4: {  	s18 =	sshll.u32 s0, $0xA;
	s2 =	sadd.s32 s3, s2  }
0x5: {  	s2 =	sadd.s32 s2, s18  }
0x6: {  	[smem:$0x3FC4] =	sst s2  }
0x7: {  	_ = 	snop  }
0x8: {  	s2 =	sld [smem:$0x3FD0];
	(tm) =	ssettm $0x1  }
0x9: {  	s19 =	sld [smem:$0x3FFB];
	_ =	sdelay $0x3  }
0xa: {  	_ =	strace s19  }
0xb: {  	s3 =	sld [smem:$0x3FFC];
	_ =	sdelay $0x3  }
0xc: {  	_ =	strace s3  }
0xd: {  	s3 =	sld [smem:$0x3FFD];
	_ =	sdelay $0x3  }
0xe: {  	_ =	strace s3  }
0xf: {  	_ =	strace $0x8FFFFFFF  }
0x10: {  	s20 =	sld [smem:$0x3FDB];
	_ =	sdelay $0x1  }
0x11: {  	s4 =	simm.s32 $_scs_section_size  }
0x12: {  	s5 =	simm.s32 $_size__tile_overlayer_lowered;
	s6 =	simm.s32 $_tile_overlayer_lowered  }
0x13: {  	s23 =	simm.s32 $0x1BFF;
	s22 =	sshll.u32 s6, $0x1;
	s3 =	sadd.s32 s4, s20  }
0x14: {  	s7 =	simm.s32 $0x0;
	s21 =	sshll.u32 s5, $0x1;
	s5 =	sadd.s32 s22, s3  }
0x15: {  	[timem:s7], [sflag:s23] =	dma.local [hbm:s5], s21  }
0x16: {  	_ =	swait.ge [sflag:s23], s21  }
0x17: {  	s4 =	ssub.s32 $0x0, s21;
	[sflag:s23] =	ssyncset.done $0x0  }
0x18: {  	[sflag:s23] =	ssyncadd.s32 s4;
	_ =	sdelay $0x1  }
0x19: {  	s24 =	simm.s32 $0x1B8B  }
0x1a: {  	_ =	swait.ge [sflag:s24], $0x1  }
0x1b: {  	[sflag:s24] =	ssyncset.done $0x0  }
0x1c: {  	s26 =	simm.s32 $0x1B8E;
	s25 =	sld [smem:$0x3FFE];
	[sflag:s24] =	ssyncadd.s32 $0xFFFFFFFF  }
0x1d: {  	s27 =	simm.s32 $execute0_lowered;
	[smem:$0x3FD2] =	sst s26  }
0x1e: {  	s5 =	sshll.u32 s27, $0x1;
	_ =	strace $0x80000046;
	[dreg:$0x1] =	wrdreg $0xFFFFFFFF  }
0x1f: {  	s28 =	simm.s32 $_size_execute0_lowered;
	s3 =	sadd.s32 s3, s5;
	[dreg:$0x0] =	wrdreg $0x0  }
0x20: {  	s5 =	sshll.u32 s28, $0x1;
	[dreg:$0x2] =	wrdreg s3  }
0x21: {  	[dreg:$0x3] =	wrdreg s5  }
0x22: {  	[dreg:$0x4] =	wrdreg $0xC0  }
0x23: {  	_ =	task [dreg:s7], $0x5FFFF  }
0x24: {  	[dreg:$0x1] =	wrdreg $0xFFFFFFFF  }
0x25: {  	[dreg:$0x0] =	wrdreg $0x60  }
0x26: {  	[dreg:$0x2] =	wrdreg s25  }
0x27: {  	[dreg:$0x3] =	wrdreg s2  }
0x28: {  	[dreg:$0x4] =	wrdreg $0x9  }
0x29: {  	_ =	task.clear_ibuf [dreg:s7], $0x5FFFF;
	_ =	strace $0x90000046  }
0x2a: {  	s29 =	simm.s32 $0x9;
	_ =	strace $0x80000048  }
0x2b: {  	_ =	swait.ge [sflag:s29], $0x1  }
0x2c: {  	[sflag:s29] =	ssyncadd.s32 $0xFFFFFFFF  }
0x2d: {  	_ =	strace $0x90000048  }
0x2e: {  	_ =	sfence  }
0x2f: {  	s30 =	sld [smem:$0x0];
	_ =	sdelay $0x2  }
0x30: {  	s31 =	sshll.u32 s1, $0xD;
	s1 =	sshrl.u32 s1, $0x2  }
0x31: {  	s3 =	sand.u32 $0x4000, s31;
	s1 =	sadd.s32 s1, s30  }
0x32: {  	s0 =	sor.u32 s3, s0;
	s1 =	sshll.u32 s1, $0x11  }
0x33: {  	s0 =	sor.u32 s1, s0  }
0x34: {  	s0 =	sadd.s32 $0x8F2B, s0  }
0x35: {  	[sflag:s0] =	ssyncadd.remote.s32 $0x1  }
0x36: {  	_ =	sfence.sel $0xFFFF  }
0x37: {  	[dreg:$0x0] =	wrdreg $0xFFFFFFFF;
	(pc) =	sbr.abs _section_cstart, $3  }
0x38: {  	[dreg:$0x1] =	wrdreg $0xFFFFFFFF  }
0x39: {  	_ =	task.clear_ibuf [dreg:s7], $0x2FFFF;
	_ =	strace $0x9FFFFFFF  }
0x3a: {  	(tm) =	ssettm $0x7FFFFFFF  }
0x3b: {  	_ =	shalt  }
tec
execute0_lowered:
.L_overlay_start_1:
0x0: {  	(tag) =	ssettag $0x1  }
0x1: {  	s1 =	rddreg [dreg:$0x0]  }
0x2: {  	s2 =	rddreg [dreg:$0x1]  }
0x3: {  	s0 =	rddreg [dreg:$0x2]  }
0x4: {  	s4 =	srdreg.scid;
	_ =	strace $0x80000047;
	s6 =	simm.s32 $0x2  }
0x5: {  	s13 =	simm.s32 $0x0;
	p0 =	por $0x0, $0x0;
	s11 =	simm.s32 $0x0  }
.Ltmp0:
0x6: {  	s12 =	simm.s32 $0x0;
	s8 =	simm.s32 $0x0;
	(pc) =	sbr.rel .LBB1_1-.Ltmp0, $4  }
0x7: {  	s9 =	simm.s32 $0x0;
	s3 =	sadd.s32 $0x800, s1;
	s4 =	sshll.u32 s4, $0x4  }
0x8: {  	s1 =	stileid.u32;
	s5 =	sand.u32 $0x10, s4;
	s4 =	simm.s32 $0x1  }
0x9: {  	s7 =	simm.s32 $0x0;
	s5 =	sor.u32 s1, s5;
	[sflag:s4] =	ssyncpa.u1 $0x0  }
0xa: {  	[sflag:s6] =	ssyncpa.u1 $0x0;
	s6 =	simm.s32 $0x2000;
	s10 =	smov.u32 s5  }
.LBB1_5:
0xb: {  	s14 =	sadd.s32 $0x100, s8  }
0xc: {  	s11 =	sadd.s32 $0x80, s9;
	s15 =	smov.u32 s9;
	p2 =	sgt.s32 s14, $0x1FF  }
0xd: {  	s15 =	smov.u32 @p2 s11  }
0xe: {  	s17 =	smov.u32 s10;
	s11 =	sadd.s32 $0x20, s10;
	p3 =	sgt.s32 s15, $0x7FF  }
0xf: {  	p1 =	slt.u32 s7, $0x2;
	s17 =	smov.u32 @p3 s11  }
0x10: {  	s7 =	sadd.s32 $0x1, s7;
	s14 =	simm.s32 @p2 $0x0;
	p2 =	sgt.s32 s17, $0x7F  }
0x11: {  	s17 =	smov.u32 @p2 s5;
	p2 =	sne.s32 s7, $0x82  }
.Ltmp1:
0x12: {  	s16 =	simm.s32 @!p1 $0x2;
	(pc) =	sbr.rel @!p2 .LBB1_6-.Ltmp1, $4  }
0x13: {  	s13 =	smov.u32 s8;
	_ =	swait.ge @!p1 [sflag:s16], $0x4000  }
0x14: {  	s12 =	smov.u32 s10;
	p0 =	por !p0, !p0;
	[sflag:s16] =	ssyncset.done @!p1 $0x0  }
0x15: {  	s8 =	smov.u32 s14;
	s15 =	simm.s32 @p3 $0x0;
	s11 =	smov.u32 s9  }
0x16: {  	[sflag:s16] =	ssyncadd.s32 @!p1 $0xFFFFC000;
	s9 =	smov.u32 s15;
	s10 =	smov.u32 s17  }
.LBB1_1:
0x17: {  	p1 =	sgt.u32 s7, $0x7F  }
0x18: {  	s14 =	sshll.u32 @!p1 s9, $0x9;
	s15 =	sshll.u32 @!p1 s8, $0x3  }
0x19: {  	s16 =	sshll.u32 @!p1 s9, $0x7;
	s14 =	sand.u32 @!p1 $0xFF000, s14;
	s15 =	sand.u32 @!p1 $0xFFC00, s15  }
0x1a: {  	s17 =	sshll.u32 @!p1 s8, $0x1;
	s14 =	sadd.s32 @!p1 s14, s15;
	s15 =	sand.u32 @!p1 $0x200, s16  }
0x1b: {  	s16 =	sand.u32 @!p1 $0x100, s16;
	s14 =	sor.u32 @!p1 s15, s14;
	s15 =	sand.u32 @!p1 $0xF0, s17  }
0x1c: {  	s17 =	sxor.u32 @!p1 $0xFFFFFFFF, s7;
	s15 =	sor.u32 @!p1 s16, s15;
	s16 =	sshll.u32 @!p1 s10, $0x10  }
0x1d: {  	s14 =	sshrl.u32 @!p1 s14, $0x4;
	s15 =	sshrl.u32 @!p1 s15, $0x4;
	s16 =	sadd.s32 @!p1 s3, s16  }
0x1e: {  	s14 =	sand.u32 @!p1 $0xFFE0, s14;
	s15 =	sadd.s32 @!p1 s15, s16;
	s16 =	sand.u32 @!p1 $0x7, s8  }
0x1f: {  	s14 =	sadd.s32 @!p1 s14, s15;
	s15 =	sshll.u32 @!p1 s17, $0xE;
	s16 =	sshll.u32 @!p1 s16, $0x12  }
0x20: {  	s17 =	simm.s32 @!p1 $0x800;
	s15 =	sand.u32 @!p1 $0x4000, s15;
	s16 =	sor.u32 @!p1 $0x400, s16  }
0x21: {  	[tilespmem:s15], [sflag:$0x1] =	stream.strided.gather @!p1 [hbm4b:s14+s16], $0x4000, s17, s16, $0x38;
	[tilespmem:$0x10100] =	vst v63  }
0x22: {  	p1 =	seq.s32 s7, $0x0  }
0x23: {  	p2 =	seq.s32 @!p1 s7, $0x81  }
0x24: {  	p1 =	por p1, p2  }
.Ltmp2:
0x25: {  	_ = 	snop;
	(pc) =	sbr.rel @p1 .LBB1_5-.Ltmp2, $1  }
0x26: {  	_ =	sdelay $0x3  }
0x27: {  	s16 =	sand.u32 $0x1, s7;
	s14 =	simm.s32 $0x0  }
0x28: {  	_ =	swait.ge [sflag:s4], $0x4000;
	s15 =	sshll.u32 s16, $0xE;
	s17 =	sand.u32 $0x3C00, s14  }
0x29: {  	[sflag:s4] =	ssyncset.done $0x0;
	s14 =	sand.u32 $0x180, s14;
	s17 =	sadd.s32 s17, s15  }
0x2a: {  	[sflag:s4] =	ssyncadd.s32 $0xFFFFC000;
	s19 =	sadd.s32 s14, s17  }
0x2b: {  	v0 =	vld [tilespmem:s19+$0x260]  }
0x2c: {  	v1 =	vld [tilespmem:s19+$0x270]  }
0x2d: {  	v2 =	vld [tilespmem:s19+$0x0]  }
0x2e: {  	v3 =	vld [tilespmem:s19+$0x10]  }
0x2f: {  	v4 =	vld [tilespmem:s19+$0x20]  }
0x30: {  	s14 =	simm.s32 $0x1;
	v5 =	vld [tilespmem:s19+$0x30]  }
0x31: {  	s14 =	simm.s32 @!p0 $0x0;
	v6 =	vld [tilespmem:s19+$0x40]  }
0x32: {  	v7 =	vld [tilespmem:s19+$0x50];
	s14 =	smul.u32 $0x10200, s14;
	v1 =	vperm.xlane.i2c.b16 v1;
	v0 =	vperm.xlane.i2c.b16 v0  }
0x33: {  	v8 =	vld [tilespmem:s19+$0x60];
	v2 =	vperm.xlane.i2c.b16 v2;
	v3 =	vperm.xlane.i2c.b16 v3  }
0x34: {  	v10 =	vld [tilespmem:s19+$0x70];
	s14 =	sshrl.u32 s14, $0x2;
	v9 =	vcombine.low v0, v1;
	v0 =	vcombine.high v0, v1  }
0x35: {  	s14 =	sor.u32 $0x8000, s14;
	v1 =	vperm.xlane.i2c.b16 v5;
	v5 =	vld [tilespmem:s19+$0x200];
	v11 =	vcombine.low v2, v3  }
0x36: {  	v4 =	vperm.xlane.i2c.b16 v4;
	v2 =	vcombine.high v2, v3;
	v3 =	vld [tilespmem:s19+$0x210];
	[tilespmem:s14+$0x3870 ss:$0x81] =	vst.msk $0xffff, v9  }
0x37: {  	s30 =	simm.s32 $0x100;
	v6 =	vperm.xlane.i2c.b16 v6;
	v7 =	vperm.xlane.i2c.b16 v7;
	v9 =	vld [tilespmem:s19+$0x220];
	[tilespmem:s14+$0x0 ss:$0x81] =	vst.msk $0xffff, v11  }
0x38: {  	s18 =	simm.s32 $0x80;
	s17 =	sand.u32 $0x3C00, s30;
	[tilespmem:s14+$0x3871 ss:$0x81] =	vst.msk $0xffff, v0;
	v0 =	vcombine.low v4, v1;
	v1 =	vcombine.high v4, v1;
	v4 =	vld [tilespmem:s19+$0x230]  }
0x39: {  	s20 =	sand.u32 $0x180, s18;
	s17 =	sadd.s32 s17, s15;
	[tilespmem:s14+$0x1 ss:$0x81] =	vst.msk $0xffff, v2;
	v2 =	vperm.xlane.i2c.b16 v8;
	v8 =	vperm.xlane.i2c.b16 v10;
	v10 =	vld [tilespmem:s19+$0x240]  }
0x3a: {  	s17 =	sadd.s32 s20, s17;
	[tilespmem:s14+$0x810 ss:$0x81] =	vst.msk $0xffff, v0;
	v0 =	vcombine.low v6, v7;
	v6 =	vcombine.high v6, v7;
	v7 =	vld [tilespmem:s19+$0x250]  }
0x3b: {  	v11 =	vcombine.low v2, v8;
	v2 =	vcombine.high v2, v8;
	v8 =	vld [tilespmem:s17+$0x0];
	[tilespmem:s14+$0x811 ss:$0x81] =	vst.msk $0xffff, v1  }
0x3c: {  	v1 =	vperm.xlane.i2c.b16 v5;
	v5 =	vld [tilespmem:s17+$0x260];
	[tilespmem:s14+$0x1020 ss:$0x81] =	vst.msk $0xffff, v0;
	v0 =	vperm.xlane.i2c.b16 v3  }
0x3d: {  	v3 =	vld [tilespmem:s17+$0x270];
	[tilespmem:s14+$0x1021 ss:$0x81] =	vst.msk $0xffff, v6;
	v6 =	vperm.xlane.i2c.b16 v9  }
0x3e: {  	[tilespmem:s14+$0x1830 ss:$0x81] =	vst.msk $0xffff, v11;
	v11 =	vld [tilespmem:s17+$0x10];
	v4 =	vperm.xlane.i2c.b16 v4;
	v9 =	vcombine.low v1, v0  }
0x3f: {  	v12 =	vcombine.high v1, v0;
	v0 =	vperm.xlane.i2c.b16 v10  }
0x40: {  	[tilespmem:s14+$0x1831 ss:$0x81] =	vst.msk $0xffff, v2;
	v2 =	vld [tilespmem:s17+$0x20];
	v10 =	vcombine.low v6, v4;
	v1 =	vperm.xlane.i2c.b16 v7  }
0x41: {  	v4 =	vcombine.high v6, v4;
	v8 =	vperm.xlane.i2c.b16 v8;
	[tilespmem:s14+$0x2040 ss:$0x81] =	vst.msk $0xffff, v9;
	v9 =	vld [tilespmem:s17+$0x30]  }
0x42: {  	v6 =	vld [tilespmem:s17+$0x40];
	v5 =	vperm.xlane.i2c.b16 v5;
	[tilespmem:s14+$0x2041 ss:$0x81] =	vst.msk $0xffff, v12;
	v3 =	vperm.xlane.i2c.b16 v3  }
0x43: {  	[tilespmem:s14+$0x2850 ss:$0x81] =	vst.msk $0xffff, v10;
	v10 =	vld [tilespmem:s17+$0x50];
	v12 =	vcombine.low v0, v1;
	v11 =	vperm.xlane.i2c.b16 v11  }
0x44: {  	[tilespmem:s14+$0x2851 ss:$0x81] =	vst.msk $0xffff, v4;
	v4 =	vld [tilespmem:s17+$0x60];
	v13 =	vcombine.low v5, v3  }
0x45: {  	s31 =	smul.u32 $0x10200, s16;
	s16 =	sadd.s32 $0x2, s14;
	v7 =	vperm.xlane.i2c.b16 v2;
	v2 =	vld [tilespmem:s17+$0x70];
	[tilespmem:s14+$0x3060 ss:$0x81] =	vst.msk $0xffff, v12;
	v12 =	vcombine.low v8, v11  }
0x46: {  	v14 =	vcombine.high v5, v3;
	v5 =	vld [tilespmem:s17+$0x200];
	v9 =	vperm.xlane.i2c.b16 v9;
	[tilespmem:s16+$0x3870 ss:$0x81] =	vst.msk $0xffff, v13  }
0x47: {  	s19 =	sshrl.u32 s31, $0x2;
	v11 =	vcombine.high v8, v11;
	v3 =	vld [tilespmem:s17+$0x210];
	v8 =	vperm.xlane.i2c.b16 v6;
	[tilespmem:s16+$0x0 ss:$0x81] =	vst.msk $0xffff, v12  }
0x48: {  	s21 =	simm.s32 $0x200;
	s20 =	simm.s32 $0x2;
	s19 =	sor.u32 $0x8000, s19;
	v6 =	vld [tilespmem:s17+$0x220];
	[tilespmem:s16+$0x3871 ss:$0x81] =	vst.msk $0xffff, v14;
	v10 =	vperm.xlane.i2c.b16 v10;
	v12 =	vcombine.low v7, v9  }
.LBB1_3:
0x49: {  	s22 =	sand.u32 $0x3C00, s21;
	[tilespmem:s16+$0x1 ss:$0x81] =	vst.msk $0xffff, v11;
	v7 =	vcombine.high v7, v9;
	v4 =	vperm.xlane.i2c.b16 v4;
	v9 =	vld [tilespmem:s17+$0x230];
	s18 =	sadd.s32 $0x80, s18  }
0x4a: {  	s23 =	sand.u32 $0x180, s18;
	s22 =	sadd.s32 s22, s15;
	[tilespmem:s16+$0x810 ss:$0x81] =	vst.msk $0xffff, v12;
	v11 =	vcombine.low v8, v10;
	v2 =	vperm.xlane.i2c.b16 v2;
	v12 =	vld [tilespmem:s17+$0x240]  }
0x4b: {  	s20 =	sadd.s32 $0x2, s20;
	[tilespmem:s16+$0x811 ss:$0x81] =	vst.msk $0xffff, v7;
	v7 =	vcombine.high v8, v10;
	v5 =	vperm.xlane.i2c.b16 v5;
	v8 =	vld [tilespmem:s17+$0x250];
	s17 =	sadd.s32 s23, s22  }
0x4c: {  	p1 =	slt.u32 s20, $0x7E;
	v10 =	vld [tilespmem:s17+$0x260];
	[tilespmem:s16+$0x1020 ss:$0x81] =	vst.msk $0xffff, v11;
	v11 =	vcombine.low v4, v2;
	v3 =	vperm.xlane.i2c.b16 v3  }
0x4d: {  	v2 =	vcombine.high v4, v2;
	v13 =	vld [tilespmem:s17+$0x270];
	[tilespmem:s16+$0x1021 ss:$0x81] =	vst.msk $0xffff, v7;
	v4 =	vperm.xlane.i2c.b16 v6  }
0x4e: {  	v6 =	vld [tilespmem:s17+$0x0];
	[tilespmem:s16+$0x1830 ss:$0x81] =	vst.msk $0xffff, v11;
	v7 =	vcombine.low v5, v3;
	v9 =	vperm.xlane.i2c.b16 v9  }
0x4f: {  	v11 =	vld [tilespmem:s17+$0x10];
	[tilespmem:s16+$0x1831 ss:$0x81] =	vst.msk $0xffff, v2;
	v2 =	vcombine.high v5, v3;
	v3 =	vperm.xlane.i2c.b16 v12  }
0x50: {  	v5 =	vld [tilespmem:s17+$0x20];
	[tilespmem:s16+$0x2040 ss:$0x81] =	vst.msk $0xffff, v7;
	v7 =	vcombine.low v4, v9;
	v8 =	vperm.xlane.i2c.b16 v8  }
0x51: {  	v12 =	vld [tilespmem:s17+$0x30];
	[tilespmem:s16+$0x2041 ss:$0x81] =	vst.msk $0xffff, v2;
	v2 =	vcombine.high v4, v9;
	v9 =	vcombine.high v0, v1;
	v0 =	vmov v3  }
0x52: {  	v10 =	vperm.xlane.i2c.b16 v10;
	v3 =	vld [tilespmem:s17+$0x40];
	v13 =	vperm.xlane.i2c.b16 v13;
	[tilespmem:s16+$0x2850 ss:$0x81] =	vst.msk $0xffff, v7;
	v1 =	vmov v8  }
0x53: {  	v6 =	vperm.xlane.i2c.b16 v6;
	v14 =	vld [tilespmem:s17+$0x50];
	[tilespmem:s16+$0x2851 ss:$0x81] =	vst.msk $0xffff, v2;
	v8 =	vcombine.low v0, v1  }
.Ltmp3:
0x54: {  	v11 =	vperm.xlane.i2c.b16 v11;
	v4 =	vld [tilespmem:s17+$0x60];
	v15 =	vcombine.low v10, v13;
	[tilespmem:s14+$0x3061 ss:$0x81] =	vst.msk $0xffff, v9;
	s14 =	smov.u32 s16;
	(pc) =	sbr.rel @p1 .LBB1_3-.Ltmp3, $4  }
0x55: {  	v10 =	vcombine.high v10, v13;
	s16 =	sadd.s32 $0x2, s16;
	v7 =	vperm.xlane.i2c.b16 v5;
	v2 =	vld [tilespmem:s17+$0x70];
	[tilespmem:s14+$0x3060 ss:$0x81] =	vst.msk $0xffff, v8  }
0x56: {  	v13 =	vcombine.low v6, v11;
	v9 =	vperm.xlane.i2c.b16 v12;
	v5 =	vld [tilespmem:s17+$0x200];
	[tilespmem:s16+$0x3870 ss:$0x81] =	vst.msk $0xffff, v15  }
0x57: {  	v11 =	vcombine.high v6, v11;
	v8 =	vperm.xlane.i2c.b16 v3;
	v3 =	vld [tilespmem:s17+$0x210];
	[tilespmem:s16+$0x3871 ss:$0x81] =	vst.msk $0xffff, v10  }
0x58: {  	s21 =	sadd.s32 $0x100, s21;
	[tilespmem:s16+$0x0 ss:$0x81] =	vst.msk $0xffff, v13;
	v12 =	vcombine.low v7, v9;
	v10 =	vperm.xlane.i2c.b16 v14;
	v6 =	vld [tilespmem:s17+$0x220]  }
0x59: {  	[tilespmem:s16+$0x1 ss:$0x81] =	vst.msk $0xffff, v11;
	v7 =	vcombine.high v7, v9;
	v4 =	vperm.xlane.i2c.b16 v4;
	v48 =	vld [tilespmem:s17+$0x230]  }
0x5a: {  	v50 =	vld [tilespmem:s17+$0x240];
	v0 =	vcombine.high v0, v1;
	[tilespmem:s16+$0x810 ss:$0x81] =	vst.msk $0xffff, v12;
	v49 =	vcombine.low v8, v10  }
0x5b: {  	v52 =	vld [tilespmem:s17+$0x250];
	v2 =	vperm.xlane.i2c.b16 v2;
	v51 =	vcombine.high v8, v10;
	[tilespmem:s16+$0x811 ss:$0x81] =	vst.msk $0xffff, v7  }
0x5c: {  	v5 =	vperm.xlane.i2c.b16 v5;
	[tilespmem:s14+$0x3061 ss:$0x81] =	vst.msk $0xffff, v0;
	v3 =	vperm.xlane.i2c.b16 v3  }
0x5d: {  	[tilespmem:s16+$0x1020 ss:$0x81] =	vst.msk $0xffff, v49;
	v53 =	vcombine.low v4, v2;
	v2 =	vcombine.high v4, v2  }
0x5e: {  	[tilespmem:s16+$0x1021 ss:$0x81] =	vst.msk $0xffff, v51;
	v54 =	vperm.xlane.i2c.b16 v6;
	v55 =	vcombine.low v5, v3  }
0x5f: {  	s15 =	sshll.u32 s13, $0xB;
	s28 =	sshll.u32 s11, $0x3;
	s20 =	sshll.u32 s11, $0x1;
	[tilespmem:s16+$0x1830 ss:$0x81] =	vst.msk $0xffff, v53;
	v56 =	vperm.xlane.i2c.b16 v48;
	v57 =	vcombine.high v5, v3  }
0x60: {  	s29 =	sshll.u32 s13, $0x7;
	s12 =	sshll.u32 s12, $0x10;
	s31 =	sand.u32 $0x7, s11;
	v58 =	vperm.xlane.i2c.b16 v50;
	v60 =	vperm.xlane.i2c.b16 v52;
	[tilespmem:s16+$0x1831 ss:$0x81] =	vst.msk $0xffff, v2  }
0x61: {  	s15 =	sand.u32 $0xFC000, s15;
	s18 =	sand.u32 $0xFFC00, s28;
	s20 =	sand.u32 $0xF0, s20;
	[tilespmem:s16+$0x2040 ss:$0x81] =	vst.msk $0xffff, v55;
	v59 =	vcombine.low v54, v56  }
0x62: {  	s17 =	sand.u32 $0x400, s28;
	s13 =	sand.u32 $0x300, s29;
	s15 =	sadd.s32 s18, s15;
	v62 =	vcombine.low v58, v60;
	[tilespmem:s16+$0x2041 ss:$0x81] =	vst.msk $0xffff, v57  }
.Ltmp4:
0x63: {  	s17 =	sor.u32 s17, s20;
	s15 =	sshrl.u32 s15, $0x4;
	v61 =	vcombine.high v54, v56;
	[tilespmem:s16+$0x2850 ss:$0x81] =	vst.msk $0xffff, v59;
	(pc) =	sbr.rel .LBB1_5-.Ltmp4, $4  }
0x64: {  	s12 =	sadd.s32 s2, s12;
	s13 =	sor.u32 s13, s17;
	s30 =	sand.u32 $0xFF80, s15;
	v63 =	vcombine.high v58, v60;
	[tilespmem:s16+$0x3060 ss:$0x81] =	vst.msk $0xffff, v62  }
0x65: {  	s11 =	sshll.u32 s31, $0x12;
	s13 =	sshrl.u32 s13, $0x4;
	s12 =	sadd.s32 s30, s12;
	[tilespmem:s16+$0x2851 ss:$0x81] =	vst.msk $0xffff, v61  }
0x66: {  	s11 =	sor.u32 $0x200, s11;
	s12 =	sadd.s32 s13, s12;
	[tilespmem:s16+$0x3061 ss:$0x81] =	vst.msk $0xffff, v63  }
0x67: {  	[hbm4b:s12+s11] =	stream.strided.scatter [tilespmem:s19], [sflag:$0x2], $0x4000, s6, s11, $0x20;
	[tilespmem:$0x10100] =	vst v63  }
.LBB1_6:
0x68: {  	_ =	sfence.sel $0x180000  }
0x69: {  	s2 =	simm.s32 $0x1;
	[bflag:$0x0] =	sbarrier.arrive $0xFFFF  }
0x6a: {  	s31 =	simm.s32 $0x2;
	[sflag:s2] =	ssyncpa.u1 $0x1  }
0x6b: {  	[sflag:s31] =	ssyncpa.u1 $0x1  }
0x6c: {  	p0 =	sne.s32 s1, $0x0;
	_ =	strace $0x90000047  }
0x6d: {  	s0 =	sadd.s32 @!p0 $0x100000, s0;
	[bflag:$0x2] =	sbarrier.arrive $0xFFFF  }
0x6e: {  	[sflag:s0] =	ssyncadd.tile.s32 @!p0 $0x1;
	_ =	shalt  }
.Lfunc_end1:
_tile_overlayer_lowered:
.L_overlay_start_2:
0x6f: {  	(tag) =	ssettag $0x2  }
0x70: {  	s0 =	rddreg [dreg:$0x0];
	s2 =	stileid.u32  }
0x71: {  	s1 =	rddreg [dreg:$0x1];
	p0 =	sne.s32 s2, $0x0  }
0x72: {  	s3 =	rddreg [dreg:$0x2];
	[bflag:$0x3] =	sbarrier.arrive $0xFFFF;
	s2 =	simm.s32 @!p0 $0x1C01  }
0x73: {  	[timem:s3], [sflag:s2] =	dma.local @!p0 [hbm:s0], s1  }
0x74: {  	s0 =	simm.s32 @!p0 $0x1  }
0x75: {  	_ =	swait.ge @!p0 [sflag:s0], s1  }
0x76: {  	s1 =	ssub.s32 @!p0 $0x0, s1;
	[sflag:s0] =	ssyncset.done @!p0 $0x0  }
0x77: {  	[sflag:s0] =	ssyncadd.s32 @!p0 s1  }
0x78: {  	[bflag:$0x3] =	sbarrier.arrive $0xFFFF  }
0x79: {  	_ =	shalt  }

</sc_bundles>
